<compile_context>
chip_gen: v7x
topology: tpu7x:2x2x1
jax: 0.10.2.dev20260603
libtpu: 0.0.44.dev20260713+nightly
codegen_flags: <defaults>
</compile_context>

<pallas_src>
import functools
import jax
import jax.numpy as jnp
from jax import lax
from jax.experimental import pallas as pl
from jax.experimental.pallas import tpu as pltpu
from jax.experimental.pallas import tpu_sc as plsc

N = 50000
FEATS = 512
K = 512
BN = 2000
NPAD = 50176
ROWS = NPAD // 128
CAP = 1024
GR = 8
NEG = -3.0e38

_HIGH = functools.partial(jnp.dot, precision=lax.Precision.HIGHEST,
                          preferred_element_type=jnp.float32)


def _scores_body(emb_ref, mask_ref, scorer_ref, out_ref):
    s = scorer_ref[...]
    inv_norm = lax.rsqrt(jnp.sum(s * s))
    acc = jnp.dot(emb_ref[...], s, preferred_element_type=jnp.float32)
    out_ref[...] = acc * inv_norm + mask_ref[...]


def _topk_body(s_ref, vals_ref, idx_ref):
    s = s_ref[...]
    bits = lax.bitcast_convert_type(s, jnp.int32)
    skey = bits ^ ((bits >> 31) & jnp.int32(0x7FFFFFFF))

    INT_MIN = jnp.int32(-2147483648)
    cnt0 = jnp.sum((skey >= 0).astype(jnp.int32))
    acc0 = jnp.where(cnt0 >= K, jnp.int32(0), INT_MIN)

    def bit_step(t, acc):
        test = acc + (jnp.int32(1) << (jnp.int32(30) - t))
        cnt = jnp.sum((skey >= test).astype(jnp.int32))
        return jnp.where(cnt >= K, test, acc)

    thresh = lax.fori_loop(0, 31, bit_step, acc0)

    mi = (skey >= thresh).astype(jnp.float32)
    total_c = jnp.sum(mi)
    lane = lax.broadcasted_iota(jnp.int32, (ROWS, 128), 1).astype(jnp.float32)
    U = (lax.broadcasted_iota(jnp.int32, (128, 128), 0)
         <= lax.broadcasted_iota(jnp.int32, (128, 128), 1)).astype(jnp.float32)
    incl = _HIGH(mi, U)
    exc = incl - mi
    rs = incl[:, 127:128]
    Lx = (lax.broadcasted_iota(jnp.int32, (ROWS, ROWS), 1)
          < lax.broadcasted_iota(jnp.int32, (ROWS, ROWS), 0)).astype(jnp.float32)
    ro = _HIGH(Lx, rs)

    p_col = lax.broadcasted_iota(jnp.int32, (CAP, 1), 0).astype(jnp.float32)
    ro_row = ro.T
    rs_row = rs.T
    R = ((ro_row <= p_col) & (p_col < ro_row + rs_row)).astype(jnp.float32)

    rowexc = _HIGH(R, exc)
    mrow = _HIGH(R, mi)
    srow = _HIGH(R, s * mi)
    lrow = _HIGH(R, mi * lane)
    ro_of_p = _HIGH(R, ro)
    row_iota = lax.broadcasted_iota(jnp.int32, (ROWS, 1), 0).astype(jnp.float32)
    row_of_p = _HIGH(R, row_iota)

    sel = ((rowexc == p_col - ro_of_p) & (mrow > 0.5)).astype(jnp.float32)
    val_col = jnp.sum(sel * srow, axis=1, keepdims=True)
    lane_col = jnp.sum(sel * lrow, axis=1, keepdims=True)
    idx_col = row_of_p * 128.0 + lane_col
    val_col = jnp.where(p_col < total_c, val_col, NEG)

    v_row = val_col.T
    i_lt = (lax.broadcasted_iota(jnp.int32, (CAP, CAP), 1)
            < lax.broadcasted_iota(jnp.int32, (CAP, CAP), 0))
    B = ((v_row > val_col) | ((v_row == val_col) & i_lt)).astype(jnp.float32)
    rank_col = _HIGH(B, jnp.ones((CAP, 1), jnp.float32))
    PT = (rank_col.T == p_col).astype(jnp.float32)
    sorted_val = _HIGH(PT, val_col)
    sorted_idx = _HIGH(PT, idx_col)
    vals_ref[...] = sorted_val
    idx_ref[...] = sorted_idx.astype(jnp.int32)


_SC_INFO = plsc.get_sparse_core_info()
_NW = _SC_INFO.num_cores * _SC_INFO.num_subcores
_BPW = K // _NW


def _sc_gather_body(table_hbm, idx_hbm, out_hbm, idx_v, rows_v, sem):
    wid = lax.axis_index("s") * _SC_INFO.num_cores + lax.axis_index("c")
    pltpu.sync_copy(idx_hbm.at[wid], idx_v)
    pltpu.async_copy(table_hbm.at[idx_v], rows_v, sem).wait()
    pltpu.sync_copy(rows_v, out_hbm.at[wid])


def _sc_gather(node_embs, idx):
    mesh = plsc.VectorSubcoreMesh(core_axis_name="c", subcore_axis_name="s")
    run = functools.partial(
        pl.kernel,
        mesh=mesh,
        out_type=jax.ShapeDtypeStruct((_NW, _BPW, FEATS), jnp.float32),
        scratch_types=[
            pltpu.VMEM((_BPW,), jnp.int32),
            pltpu.VMEM((_BPW, FEATS), jnp.float32),
            pltpu.SemaphoreType.DMA,
        ],
    )(_sc_gather_body)
    return run(node_embs, idx.reshape(_NW, _BPW)).reshape(K, FEATS)


def _finish_body(g_ref, v_ref, out_ref):
    t = jnp.tanh(v_ref[...])
    out_ref[...] = (g_ref[...] * t).T


def kernel(node_embs, mask, scorer):
    scores = pl.pallas_call(
        _scores_body,
        grid=(N // BN,),
        in_specs=[
            pl.BlockSpec((BN, FEATS), lambda i: (i, 0)),
            pl.BlockSpec((BN, 1), lambda i: (i, 0)),
            pl.BlockSpec((FEATS, 1), lambda i: (0, 0)),
        ],
        out_specs=pl.BlockSpec((BN, 1), lambda i: (i, 0)),
        out_shape=jax.ShapeDtypeStruct((N, 1), jnp.float32),
    )(node_embs, mask, scorer)

    padded = jnp.full((ROWS, 128), NEG, jnp.float32)
    padded = lax.dynamic_update_slice(
        padded.reshape(NPAD), scores.reshape(N), (0,)).reshape(ROWS, 128)

    vals, idx = pl.pallas_call(
        _topk_body,
        out_shape=(
            jax.ShapeDtypeStruct((CAP, 1), jnp.float32),
            jax.ShapeDtypeStruct((CAP, 1), jnp.int32),
        ),
    )(padded)
    vals = vals[:K]
    idx = idx[:K, 0]

    gathered = _sc_gather(node_embs, idx)

    out = pl.pallas_call(
        _finish_body,
        out_shape=jax.ShapeDtypeStruct((FEATS, K), jnp.float32),
    )(gathered, vals)
    return out

# --- scband reference (transcript-rebuilt; emitter-appended) ---
"""Pipeline reference for scband-top-k-75960791598089 (READ-ONLY COPY).

The authoritative reference and input builder live on the scoring server;
editing this copy changes nothing except your own understanding.
"""

import jax, jax.numpy as jnp
import numpy as np

N = 50000
FEATS = 512
K = 512

def setup_inputs(seed: int = 0) -> dict:
    key = jax.random.key(seed)
    k1, k2 = jax.random.split(key)
    node_embs = jax.random.normal(k1, (N, FEATS), dtype=jnp.float32)
    mask = jnp.zeros((N, 1), dtype=jnp.float32)
    # Kaiming-uniform init for scorer of shape (feats, 1): torch fan_in = 1, gain = sqrt(2)
    bound = float(np.sqrt(2.0) * np.sqrt(3.0 / 1.0))
    scorer = jax.random.uniform(k2, (FEATS, 1), minval=-bound, maxval=bound, dtype=jnp.float32)
    return {"node_embs": node_embs, "mask": mask, "scorer": scorer}

def reference(node_embs, mask, scorer):
    # scores = node_embs @ scorer / ||scorer||
    scores = node_embs @ scorer / jnp.linalg.norm(scorer)
    scores = scores + mask
    scores_flat = scores.reshape(-1)
    vals, topk_indices = jax.lax.top_k(scores_flat, K)
    # mask is finite (zeros) and scores has exactly N entries, so all topk_indices
    # are valid (< num_nodes) and vals > -inf; the torch fallback branches are no-ops.
    gathered = node_embs[topk_indices]
    out = gathered * jnp.tanh(scores_flat[topk_indices][:, None])
    return out.T

if __name__ == "__main__":
    import jax
    _d = setup_inputs()
    print(jax.jit(kernel)(*tuple(_d.values())))

</pallas_src>

<mosaic_0001>
#map = affine_map<(d0, d1) -> (0, 0)>
#map1 = affine_map<(d0, d1) -> (0, 0, 0)>
module attributes {stable_mosaic.version = 14 : i64} {
  func.func @_sc_gather_body(%arg0: i32, %arg1: i32, %arg2: memref<50000x512xf32, #tpu.memory_space<hbm>>, %arg3: memref<32x16xi32, #tpu.memory_space<hbm>>, %arg4: memref<32x16x512xf32, #tpu.memory_space<hbm>>, %arg5: memref<16xi32, #tpu.memory_space<vmem>>, %arg6: memref<16x512xf32, #tpu.memory_space<vmem>>, %arg7: memref<!tpu.dma_semaphore, #tpu.memory_space<semaphore_mem>>) attributes {dimension_semantics = [#tpu.dimension_semantics<core_parallel>, #tpu.dimension_semantics<subcore_parallel>], iteration_bounds = array<i64: 2, 16>, scalar_prefetch = 0 : i64, scratch_operands = 3 : i64, tpu.core_type = #tpu.core_type<sc_vector_subcore>, window_params = [{transform_indices = #map}, {transform_indices = #map}, {transform_indices = #map1}]} {
    %mul3A = arith.constant 2 : i32
    %mul3A_0 = arith.muli %arg1, %mul3A : i32
    %add3A = arith.addi %mul3A_0, %arg0 : i32
    "tpu.region"() ({
      %run_scoped3A = tpu.sem_alloc : memref<!tpu.dma_semaphore, #tpu.memory_space<semaphore_mem>>
      %dma_start3A_5 = arith.constant 0 : i32
      %dma_start3A_6 = tpu.memref_slice %arg3[%add3A, %dma_start3A_5] : memref<32x16xi32, #tpu.memory_space<hbm>> -> memref<1x16xi32, #tpu.memory_space<hbm>>
      %dma_start3A_7 = tpu.memref_squeeze %dma_start3A_6 : memref<1x16xi32, #tpu.memory_space<hbm>> -> memref<16xi32, #tpu.memory_space<hbm>>
      %dma_start3A_8 = arith.constant 0 : i32
      %dma_start3A_9 = tpu.memref_slice %arg3[%add3A, %dma_start3A_8] : memref<32x16xi32, #tpu.memory_space<hbm>> -> memref<1x16xi32, #tpu.memory_space<hbm>>
      %dma_start3A_10 = tpu.memref_squeeze %dma_start3A_9 : memref<1x16xi32, #tpu.memory_space<hbm>> -> memref<16xi32, #tpu.memory_space<hbm>>
      tpu.enqueue_dma source(%dma_start3A_10 : memref<16xi32, #tpu.memory_space<hbm>>) target(%arg5 : memref<16xi32, #tpu.memory_space<vmem>>) target_semaphore(%run_scoped3A : memref<!tpu.dma_semaphore, #tpu.memory_space<semaphore_mem>>)
      %dma_wait3A_11 = arith.constant 0 : i32
      %dma_wait3A_12 = tpu.memref_slice %arg3[%add3A, %dma_wait3A_11] : memref<32x16xi32, #tpu.memory_space<hbm>> -> memref<1x16xi32, #tpu.memory_space<hbm>>
      %dma_wait3A_13 = tpu.memref_squeeze %dma_wait3A_12 : memref<1x16xi32, #tpu.memory_space<hbm>> -> memref<16xi32, #tpu.memory_space<hbm>>
      %dma_wait3A_14 = arith.constant 0 : i32
      %dma_wait3A_15 = tpu.memref_slice %arg3[%add3A, %dma_wait3A_14] : memref<32x16xi32, #tpu.memory_space<hbm>> -> memref<1x16xi32, #tpu.memory_space<hbm>>
      %dma_wait3A_16 = tpu.memref_squeeze %dma_wait3A_15 : memref<1x16xi32, #tpu.memory_space<hbm>> -> memref<16xi32, #tpu.memory_space<hbm>>
      tpu.wait_dma2 semaphore(%run_scoped3A : memref<!tpu.dma_semaphore, #tpu.memory_space<semaphore_mem>>) src(%dma_wait3A_16 : memref<16xi32, #tpu.memory_space<hbm>>) dst(%arg5 : memref<16xi32, #tpu.memory_space<vmem>>)
      tpu.yield
    }) : () -> ()
    %dma_start3A = arith.constant 0 : i32
    %dma_start3A_1 = arith.constant 0 : i32
    %dma_start3A_2 = tpu.memref_slice %arg2[%dma_start3A, %dma_start3A_1] : memref<50000x512xf32, #tpu.memory_space<hbm>> -> memref<50000x512xf32, #tpu.memory_space<hbm>>
    tpu.enqueue_indirect_dma source(%dma_start3A_2 : memref<50000x512xf32, #tpu.memory_space<hbm>>) target(%arg6 : memref<16x512xf32, #tpu.memory_space<vmem>>) offsets(%arg5 : memref<16xi32, #tpu.memory_space<vmem>>) semaphore(%arg7 : memref<!tpu.dma_semaphore, #tpu.memory_space<semaphore_mem>>)
    %dma_wait3A = arith.constant 0 : i32
    %dma_wait3A_3 = arith.constant 0 : i32
    %dma_wait3A_4 = tpu.memref_slice %arg2[%dma_wait3A, %dma_wait3A_3] : memref<50000x512xf32, #tpu.memory_space<hbm>> -> memref<50000x512xf32, #tpu.memory_space<hbm>>
    tpu.wait_indirect_dma semaphore(%arg7 : memref<!tpu.dma_semaphore, #tpu.memory_space<semaphore_mem>>) src(%dma_wait3A_4 : memref<50000x512xf32, #tpu.memory_space<hbm>>) dst(%arg6 : memref<16x512xf32, #tpu.memory_space<vmem>>)
    "tpu.region"() ({
      %run_scoped3A = tpu.sem_alloc : memref<!tpu.dma_semaphore, #tpu.memory_space<semaphore_mem>>
      %dma_start3A_5 = arith.constant 0 : i32
      %dma_start3A_6 = arith.constant 0 : i32
      %dma_start3A_7 = tpu.memref_slice %arg4[%add3A, %dma_start3A_5, %dma_start3A_6] : memref<32x16x512xf32, #tpu.memory_space<hbm>> -> memref<1x16x512xf32, #tpu.memory_space<hbm>>
      %dma_start3A_8 = tpu.memref_squeeze %dma_start3A_7 : memref<1x16x512xf32, #tpu.memory_space<hbm>> -> memref<16x512xf32, #tpu.memory_space<hbm>>
      %dma_start3A_9 = arith.constant 0 : i32
      %dma_start3A_10 = arith.constant 0 : i32
      %dma_start3A_11 = tpu.memref_slice %arg4[%add3A, %dma_start3A_9, %dma_start3A_10] : memref<32x16x512xf32, #tpu.memory_space<hbm>> -> memref<1x16x512xf32, #tpu.memory_space<hbm>>
      %dma_start3A_12 = tpu.memref_squeeze %dma_start3A_11 : memref<1x16x512xf32, #tpu.memory_space<hbm>> -> memref<16x512xf32, #tpu.memory_space<hbm>>
      tpu.enqueue_dma source(%arg6 : memref<16x512xf32, #tpu.memory_space<vmem>>) target(%dma_start3A_12 : memref<16x512xf32, #tpu.memory_space<hbm>>) target_semaphore(%run_scoped3A : memref<!tpu.dma_semaphore, #tpu.memory_space<semaphore_mem>>)
      %dma_wait3A_13 = arith.constant 0 : i32
      %dma_wait3A_14 = arith.constant 0 : i32
      %dma_wait3A_15 = tpu.memref_slice %arg4[%add3A, %dma_wait3A_13, %dma_wait3A_14] : memref<32x16x512xf32, #tpu.memory_space<hbm>> -> memref<1x16x512xf32, #tpu.memory_space<hbm>>
      %dma_wait3A_16 = tpu.memref_squeeze %dma_wait3A_15 : memref<1x16x512xf32, #tpu.memory_space<hbm>> -> memref<16x512xf32, #tpu.memory_space<hbm>>
      %dma_wait3A_17 = arith.constant 0 : i32
      %dma_wait3A_18 = arith.constant 0 : i32
      %dma_wait3A_19 = tpu.memref_slice %arg4[%add3A, %dma_wait3A_17, %dma_wait3A_18] : memref<32x16x512xf32, #tpu.memory_space<hbm>> -> memref<1x16x512xf32, #tpu.memory_space<hbm>>
      %dma_wait3A_20 = tpu.memref_squeeze %dma_wait3A_19 : memref<1x16x512xf32, #tpu.memory_space<hbm>> -> memref<16x512xf32, #tpu.memory_space<hbm>>
      tpu.wait_dma2 semaphore(%run_scoped3A : memref<!tpu.dma_semaphore, #tpu.memory_space<semaphore_mem>>) src(%arg6 : memref<16x512xf32, #tpu.memory_space<vmem>>) dst(%dma_wait3A_20 : memref<16x512xf32, #tpu.memory_space<hbm>>)
      tpu.yield
    }) : () -> ()
    return
  }
}

module attributes {stable_mosaic.version = 14 : i64} {
  func.func @_scores_body(%arg0: i32, %arg1: memref<2000x512xf32, #tpu.memory_space<vmem>>, %arg2: memref<2000x1xf32, #tpu.memory_space<vmem>>, %arg3: memref<512x1xf32, #tpu.memory_space<vmem>>, %arg4: memref<2000x1xf32, #tpu.memory_space<vmem>>) attributes {dimension_semantics = [#tpu.dimension_semantics<arbitrary>], iteration_bounds = array<i64: 25>, scalar_prefetch = 0 : i64, scratch_operands = 0 : i64, tpu.core_type = #tpu.core_type<tc>, window_params = [{transform_indices = @transform_0, window_bounds = array<i64: 2000, 512>}, {transform_indices = @transform_1, window_bounds = array<i64: 2000, 1>}, {pipeline_mode = #tpu.pipeline_mode<synchronous>, transform_indices = @transform_2, window_bounds = array<i64: 512, 1>}, {transform_indices = @transform_3, window_bounds = array<i64: 2000, 1>}]} {
    %get3A = arith.constant 0 : index
    %get3A_0 = arith.constant 0 : index
    %get3A_1 = vector.load %arg3[%get3A, %get3A_0] : memref<512x1xf32, #tpu.memory_space<vmem>>, vector<512x1xf32>
    %mul3A = arith.mulf %get3A_1, %get3A_1 : vector<512x1xf32>
    %reduce_sum3A = vector.shape_cast %mul3A : vector<512x1xf32> to vector<1x512x1xf32>
    %reduce_sum3A_2 = arith.constant dense<0.000000e+00> : vector<1xf32>
    %reduce_sum3A_3 = vector.multi_reduction <add>, %reduce_sum3A, %reduce_sum3A_2 [1, 2] : vector<1x512x1xf32> to vector<1xf32>
    %reduce_sum3A_4 = vector.shape_cast %reduce_sum3A_3 : vector<1xf32> to vector<1x1x1xf32>
    %reduce_sum3A_5 = vector.extract %reduce_sum3A_4[0, 0, 0] : f32 from vector<1x1x1xf32>
    %rsqrt3A = math.rsqrt %reduce_sum3A_5 : f32
    %get3A_6 = arith.constant 0 : index
    %get3A_7 = arith.constant 0 : index
    %get3A_8 = vector.load %arg1[%get3A_6, %get3A_7] : memref<2000x512xf32, #tpu.memory_space<vmem>>, vector<2000x512xf32>
    %dot_general3A = arith.constant dense<0.000000e+00> : vector<2000x1xf32>
    %dot_general3A_9 = tpu.matmul %get3A_8, %get3A_1, %dot_general3A {dimension_numbers = #tpu.dot_dimension_numbers<[1], [0], [0], [1], [0, 0, 1, 1], [], []>, transpose_lhs_hint = false} : vector<2000x512xf32>, vector<512x1xf32>, vector<2000x1xf32> -> vector<2000x1xf32>
    %mul3A_10 = vector.broadcast %rsqrt3A : f32 to vector<2000x1xf32>
    %mul3A_11 = arith.mulf %dot_general3A_9, %mul3A_10 : vector<2000x1xf32>
    %get3A_12 = arith.constant 0 : index
    %get3A_13 = arith.constant 0 : index
    %get3A_14 = vector.load %arg2[%get3A_12, %get3A_13] : memref<2000x1xf32, #tpu.memory_space<vmem>>, vector<2000x1xf32>
    %add3A = arith.addf %mul3A_11, %get3A_14 : vector<2000x1xf32>
    %swap3A = arith.constant 0 : index
    %swap3A_15 = arith.constant 0 : index
    %swap3A_16 = vector.load %arg4[%swap3A, %swap3A_15] : memref<2000x1xf32, #tpu.memory_space<vmem>>, vector<2000x1xf32>
    tpu.vector_store %arg4[%swap3A, %swap3A_15], %add3A {strides = array<i32>} : memref<2000x1xf32, #tpu.memory_space<vmem>>, vector<2000x1xf32>,
    return
  }
  func.func @transform_0(%arg0: i32) -> (i32, i32) {
    %c0_i32 = arith.constant 0 : i32
    %c0_i32_0 = arith.constant 0 : i32
    return %arg0, %c0_i32 : i32, i32
  }
  func.func @transform_1(%arg0: i32) -> (i32, i32) {
    %c0_i32 = arith.constant 0 : i32
    %c0_i32_0 = arith.constant 0 : i32
    return %arg0, %c0_i32 : i32, i32
  }
  func.func @transform_2(%arg0: i32) -> (i32, i32) {
    %c0_i32 = arith.constant 0 : i32
    %c0_i32_0 = arith.constant 0 : i32
    %c0_i32_1 = arith.constant 0 : i32
    return %c0_i32, %c0_i32_0 : i32, i32
  }
  func.func @transform_3(%arg0: i32) -> (i32, i32) {
    %c0_i32 = arith.constant 0 : i32
    %c0_i32_0 = arith.constant 0 : i32
    return %arg0, %c0_i32 : i32, i32
  }
}

module attributes {stable_mosaic.version = 14 : i64} {
  func.func @_topk_body(%arg0: memref<392x128xf32, #tpu.memory_space<vmem>>, %arg1: memref<1024x1xf32, #tpu.memory_space<vmem>>, %arg2: memref<1024x1xi32, #tpu.memory_space<vmem>>) attributes {dimension_semantics = [], scalar_prefetch = 0 : i64, scratch_operands = 0 : i64, tpu.core_type = #tpu.core_type<tc>} {
    %get3A = arith.constant 0 : index
    %get3A_0 = arith.constant 0 : index
    %get3A_1 = vector.load %arg0[%get3A, %get3A_0] : memref<392x128xf32, #tpu.memory_space<vmem>>, vector<392x128xf32>
    %bitcast_convert_type3A = tpu.bitcast %get3A_1 : vector<392x128xf32> -> vector<392x128xi32>
    %shift_right_arithmetic3A = arith.constant 31 : i32
    %shift_right_arithmetic3A_2 = vector.broadcast %shift_right_arithmetic3A : i32 to vector<392x128xi32>
    %shift_right_arithmetic3A_3 = arith.shrsi %bitcast_convert_type3A, %shift_right_arithmetic3A_2 : vector<392x128xi32>
    %and3A = arith.constant 2147483647 : i32
    %and3A_4 = vector.broadcast %and3A : i32 to vector<392x128xi32>
    %and3A_5 = arith.andi %shift_right_arithmetic3A_3, %and3A_4 : vector<392x128xi32>
    %xor3A = arith.xori %bitcast_convert_type3A, %and3A_5 : vector<392x128xi32>
    %ge3A = arith.constant 0 : i32
    %ge3A_6 = vector.broadcast %ge3A : i32 to vector<392x128xi32>
    %ge3A_7 = arith.cmpi sge, %xor3A, %ge3A_6 : vector<392x128xi32>
    %convert_element_type3A = arith.extui %ge3A_7 : vector<392x128xi1> to vector<392x128xi32>
    %reduce_sum3A = vector.shape_cast %convert_element_type3A : vector<392x128xi32> to vector<1x392x128xi32>
    %reduce_sum3A_8 = arith.constant dense<0> : vector<1xi32>
    %reduce_sum3A_9 = vector.multi_reduction <add>, %reduce_sum3A, %reduce_sum3A_8 [1, 2] : vector<1x392x128xi32> to vector<1xi32>
    %reduce_sum3A_10 = vector.shape_cast %reduce_sum3A_9 : vector<1xi32> to vector<1x1x1xi32>
    %reduce_sum3A_11 = vector.extract %reduce_sum3A_10[0, 0, 0] : i32 from vector<1x1x1xi32>
    %ge3A_12 = arith.constant 512 : i32
    %ge3A_13 = arith.cmpi sge, %reduce_sum3A_11, %ge3A_12 : i32
    %jit3A = arith.constant 0 : i32
    %jit3A_14 = arith.constant -2147483648 : i32
    %select_n3A = arith.select %ge3A_13, %jit3A, %jit3A_14 : i32
    %scan3A = arith.constant 0 : i32
    %scan3A_15 = arith.constant 31 : i32
    %scan3A_16 = arith.addi %scan3A, %scan3A_15 : i32
    %scan3A_17 = arith.constant 1 : i32
    %scan3A_18 = scf.for %scan3A_124 = %scan3A to %scan3A_16 step %scan3A_17 iter_args(%scan3A_125 = %select_n3A) -> (i32)  : i32 {
      %sub3A_126 = arith.constant 30 : i32
      %sub3A_127 = arith.subi %sub3A_126, %scan3A_124 : i32
      %shift_left3A = arith.constant 1 : i32
      %shift_left3A_128 = arith.shli %shift_left3A, %sub3A_127 : i32
      %add3A_129 = arith.addi %scan3A_125, %shift_left3A_128 : i32
      %ge3A_130 = vector.broadcast %add3A_129 : i32 to vector<392x128xi32>
      %ge3A_131 = arith.cmpi sge, %xor3A, %ge3A_130 : vector<392x128xi32>
      %convert_element_type3A_132 = arith.extui %ge3A_131 : vector<392x128xi1> to vector<392x128xi32>
      %reduce_sum3A_133 = vector.shape_cast %convert_element_type3A_132 : vector<392x128xi32> to vector<1x392x128xi32>
      %reduce_sum3A_134 = arith.constant dense<0> : vector<1xi32>
      %reduce_sum3A_135 = vector.multi_reduction <add>, %reduce_sum3A_133, %reduce_sum3A_134 [1, 2] : vector<1x392x128xi32> to vector<1xi32>
      %reduce_sum3A_136 = vector.shape_cast %reduce_sum3A_135 : vector<1xi32> to vector<1x1x1xi32>
      %reduce_sum3A_137 = vector.extract %reduce_sum3A_136[0, 0, 0] : i32 from vector<1x1x1xi32>
      %ge3A_138 = arith.constant 512 : i32
      %ge3A_139 = arith.cmpi sge, %reduce_sum3A_137, %ge3A_138 : i32
      %select_n3A_140 = arith.select %ge3A_139, %add3A_129, %scan3A_125 : i32
      scf.yield %select_n3A_140 : i32
    }
    %scan3A_19 = arith.constant 31 : i32
    %ge3A_20 = vector.broadcast %scan3A_18 : i32 to vector<392x128xi32>
    %ge3A_21 = arith.cmpi sge, %xor3A, %ge3A_20 : vector<392x128xi32>
    %convert_element_type3A_22 = arith.extui %ge3A_21 : vector<392x128xi1> to vector<392x128xi32>
    %convert_element_type3A_23 = arith.sitofp %convert_element_type3A_22 : vector<392x128xi32> to vector<392x128xf32>
    %reduce_sum3A_24 = vector.shape_cast %convert_element_type3A_23 : vector<392x128xf32> to vector<1x392x128xf32>
    %reduce_sum3A_25 = arith.constant dense<0.000000e+00> : vector<1xf32>
    %reduce_sum3A_26 = vector.multi_reduction <add>, %reduce_sum3A_24, %reduce_sum3A_25 [1, 2] : vector<1x392x128xf32> to vector<1xf32>
    %reduce_sum3A_27 = vector.shape_cast %reduce_sum3A_26 : vector<1xf32> to vector<1x1x1xf32>
    %reduce_sum3A_28 = vector.extract %reduce_sum3A_27[0, 0, 0] : f32 from vector<1x1x1xf32>
    %iota3A = tpu.iota {dimensions = array<i32: 1>} : vector<392x128xi32>
    %convert_element_type3A_29 = arith.sitofp %iota3A : vector<392x128xi32> to vector<392x128xf32>
    %iota3A_30 = tpu.iota {dimensions = array<i32: 0>} : vector<128x128xi32>
    %iota3A_31 = tpu.iota {dimensions = array<i32: 1>} : vector<128x128xi32>
    %le3A = arith.cmpi sle, %iota3A_30, %iota3A_31 : vector<128x128xi32>
    %convert_element_type3A_32 = arith.extui %le3A : vector<128x128xi1> to vector<128x128xi32>
    %convert_element_type3A_33 = arith.sitofp %convert_element_type3A_32 : vector<128x128xi32> to vector<128x128xf32>
    %dot_general3A = arith.constant dense<0.000000e+00> : vector<392x128xf32>
    %dot_general3A_34 = tpu.matmul %convert_element_type3A_23, %convert_element_type3A_33, %dot_general3A {dimension_numbers = #tpu.dot_dimension_numbers<[1], [0], [0], [1], [0, 0, 1, 1], [], []>, precision = #tpu.contract_precision<fp32>, transpose_lhs_hint = false} : vector<392x128xf32>, vector<128x128xf32>, vector<392x128xf32> -> vector<392x128xf32>
    %sub3A = arith.subf %dot_general3A_34, %convert_element_type3A_23 : vector<392x128xf32>
    %slice3A = vector.extract_strided_slice %dot_general3A_34 {offsets = [0, 127], sizes = [392, 1], strides = [1, 1]} : vector<392x128xf32> to vector<392x1xf32>
    %iota3A_35 = tpu.iota {dimensions = array<i32: 1>} : vector<392x392xi32>
    %iota3A_36 = tpu.iota {dimensions = array<i32: 0>} : vector<392x392xi32>
    %lt3A = arith.cmpi slt, %iota3A_35, %iota3A_36 : vector<392x392xi32>
    %convert_element_type3A_37 = arith.extui %lt3A : vector<392x392xi1> to vector<392x392xi32>
    %convert_element_type3A_38 = arith.sitofp %convert_element_type3A_37 : vector<392x392xi32> to vector<392x392xf32>
    %dot_general3A_39 = arith.constant dense<0.000000e+00> : vector<392x1xf32>
    %dot_general3A_40 = tpu.matmul %convert_element_type3A_38, %slice3A, %dot_general3A_39 {dimension_numbers = #tpu.dot_dimension_numbers<[1], [0], [0], [1], [0, 0, 1, 1], [], []>, precision = #tpu.contract_precision<fp32>, transpose_lhs_hint = false} : vector<392x392xf32>, vector<392x1xf32>, vector<392x1xf32> -> vector<392x1xf32>
    %iota3A_41 = tpu.iota {dimensions = array<i32: 0>} : vector<1024x1xi32>
    %convert_element_type3A_42 = arith.sitofp %iota3A_41 : vector<1024x1xi32> to vector<1024x1xf32>
    %transpose3A = tpu.transpose %dot_general3A_40, [1, 0] : vector<392x1xf32> -> vector<1x392xf32>
    %transpose3A_43 = tpu.transpose %slice3A, [1, 0] : vector<392x1xf32> -> vector<1x392xf32>
    %le3A_44 = vector.broadcast %transpose3A : vector<1x392xf32> to vector<1024x392xf32>
    %le3A_45 = vector.broadcast %convert_element_type3A_42 : vector<1024x1xf32> to vector<1024x392xf32>
    %le3A_46 = arith.cmpf ole, %le3A_44, %le3A_45 : vector<1024x392xf32>
    %add3A = arith.addf %transpose3A, %transpose3A_43 : vector<1x392xf32>
    %lt3A_47 = vector.broadcast %convert_element_type3A_42 : vector<1024x1xf32> to vector<1024x392xf32>
    %lt3A_48 = vector.broadcast %add3A : vector<1x392xf32> to vector<1024x392xf32>
    %lt3A_49 = arith.cmpf olt, %lt3A_47, %lt3A_48 : vector<1024x392xf32>
    %and3A_50 = arith.andi %le3A_46, %lt3A_49 : vector<1024x392xi1>
    %convert_element_type3A_51 = arith.extui %and3A_50 : vector<1024x392xi1> to vector<1024x392xi32>
    %convert_element_type3A_52 = arith.sitofp %convert_element_type3A_51 : vector<1024x392xi32> to vector<1024x392xf32>
    %dot_general3A_53 = arith.constant dense<0.000000e+00> : vector<1024x128xf32>
    %dot_general3A_54 = tpu.matmul %convert_element_type3A_52, %sub3A, %dot_general3A_53 {dimension_numbers = #tpu.dot_dimension_numbers<[1], [0], [0], [1], [0, 0, 1, 1], [], []>, precision = #tpu.contract_precision<fp32>, transpose_lhs_hint = false} : vector<1024x392xf32>, vector<392x128xf32>, vector<1024x128xf32> -> vector<1024x128xf32>
    %dot_general3A_55 = arith.constant dense<0.000000e+00> : vector<1024x128xf32>
    %dot_general3A_56 = tpu.matmul %convert_element_type3A_52, %convert_element_type3A_23, %dot_general3A_55 {dimension_numbers = #tpu.dot_dimension_numbers<[1], [0], [0], [1], [0, 0, 1, 1], [], []>, precision = #tpu.contract_precision<fp32>, transpose_lhs_hint = false} : vector<1024x392xf32>, vector<392x128xf32>, vector<1024x128xf32> -> vector<1024x128xf32>
    %mul3A = arith.mulf %get3A_1, %convert_element_type3A_23 : vector<392x128xf32>
    %dot_general3A_57 = arith.constant dense<0.000000e+00> : vector<1024x128xf32>
    %dot_general3A_58 = tpu.matmul %convert_element_type3A_52, %mul3A, %dot_general3A_57 {dimension_numbers = #tpu.dot_dimension_numbers<[1], [0], [0], [1], [0, 0, 1, 1], [], []>, precision = #tpu.contract_precision<fp32>, transpose_lhs_hint = false} : vector<1024x392xf32>, vector<392x128xf32>, vector<1024x128xf32> -> vector<1024x128xf32>
    %mul3A_59 = arith.mulf %convert_element_type3A_23, %convert_element_type3A_29 : vector<392x128xf32>
    %dot_general3A_60 = arith.constant dense<0.000000e+00> : vector<1024x128xf32>
    %dot_general3A_61 = tpu.matmul %convert_element_type3A_52, %mul3A_59, %dot_general3A_60 {dimension_numbers = #tpu.dot_dimension_numbers<[1], [0], [0], [1], [0, 0, 1, 1], [], []>, precision = #tpu.contract_precision<fp32>, transpose_lhs_hint = false} : vector<1024x392xf32>, vector<392x128xf32>, vector<1024x128xf32> -> vector<1024x128xf32>
    %dot_general3A_62 = arith.constant dense<0.000000e+00> : vector<1024x1xf32>
    %dot_general3A_63 = tpu.matmul %convert_element_type3A_52, %dot_general3A_40, %dot_general3A_62 {dimension_numbers = #tpu.dot_dimension_numbers<[1], [0], [0], [1], [0, 0, 1, 1], [], []>, precision = #tpu.contract_precision<fp32>, transpose_lhs_hint = false} : vector<1024x392xf32>, vector<392x1xf32>, vector<1024x1xf32> -> vector<1024x1xf32>
    %iota3A_64 = tpu.iota {dimensions = array<i32: 0>} : vector<392x1xi32>
    %convert_element_type3A_65 = arith.sitofp %iota3A_64 : vector<392x1xi32> to vector<392x1xf32>
    %dot_general3A_66 = arith.constant dense<0.000000e+00> : vector<1024x1xf32>
    %dot_general3A_67 = tpu.matmul %convert_element_type3A_52, %convert_element_type3A_65, %dot_general3A_66 {dimension_numbers = #tpu.dot_dimension_numbers<[1], [0], [0], [1], [0, 0, 1, 1], [], []>, precision = #tpu.contract_precision<fp32>, transpose_lhs_hint = false} : vector<1024x392xf32>, vector<392x1xf32>, vector<1024x1xf32> -> vector<1024x1xf32>
    %sub3A_68 = arith.subf %convert_element_type3A_42, %dot_general3A_63 : vector<1024x1xf32>
    %eq3A = vector.broadcast %sub3A_68 : vector<1024x1xf32> to vector<1024x128xf32>
    %eq3A_69 = arith.cmpf oeq, %dot_general3A_54, %eq3A : vector<1024x128xf32>
    %gt3A = arith.constant 5.000000e-01 : f32
    %gt3A_70 = vector.broadcast %gt3A : f32 to vector<1024x128xf32>
    %gt3A_71 = arith.cmpf ogt, %dot_general3A_56, %gt3A_70 : vector<1024x128xf32>
    %and3A_72 = arith.andi %eq3A_69, %gt3A_71 : vector<1024x128xi1>
    %convert_element_type3A_73 = arith.extui %and3A_72 : vector<1024x128xi1> to vector<1024x128xi32>
    %convert_element_type3A_74 = arith.sitofp %convert_element_type3A_73 : vector<1024x128xi32> to vector<1024x128xf32>
    %mul3A_75 = arith.mulf %convert_element_type3A_74, %dot_general3A_58 : vector<1024x128xf32>
    %reduce_sum3A_76 = arith.constant dense<0.000000e+00> : vector<1024xf32>
    %reduce_sum3A_77 = vector.multi_reduction <add>, %mul3A_75, %reduce_sum3A_76 [1] : vector<1024x128xf32> to vector<1024xf32>
    %broadcast_in_dim3A = vector.shape_cast %reduce_sum3A_77 : vector<1024xf32> to vector<1024x1xf32>
    %mul3A_78 = arith.mulf %convert_element_type3A_74, %dot_general3A_61 : vector<1024x128xf32>
    %reduce_sum3A_79 = arith.constant dense<0.000000e+00> : vector<1024xf32>
    %reduce_sum3A_80 = vector.multi_reduction <add>, %mul3A_78, %reduce_sum3A_79 [1] : vector<1024x128xf32> to vector<1024xf32>
    %broadcast_in_dim3A_81 = vector.shape_cast %reduce_sum3A_80 : vector<1024xf32> to vector<1024x1xf32>
    %mul3A_82 = arith.constant 1.280000e+02 : f32
    %mul3A_83 = vector.broadcast %mul3A_82 : f32 to vector<1024x1xf32>
    %mul3A_84 = arith.mulf %dot_general3A_67, %mul3A_83 : vector<1024x1xf32>
    %add3A_85 = arith.addf %mul3A_84, %broadcast_in_dim3A_81 : vector<1024x1xf32>
    %lt3A_86 = vector.broadcast %reduce_sum3A_28 : f32 to vector<1024x1xf32>
    %lt3A_87 = arith.cmpf olt, %convert_element_type3A_42, %lt3A_86 : vector<1024x1xf32>
    %jit3A_88 = arith.constant -3.000000e+38 : f32
    %broadcast_in_dim3A_89 = vector.broadcast %jit3A_88 : f32 to vector<1024x1xf32>
    %select_n3A_90 = arith.select %lt3A_87, %broadcast_in_dim3A, %broadcast_in_dim3A_89 : vector<1024x1xi1>, vector<1024x1xf32>
    %transpose3A_91 = tpu.transpose %select_n3A_90, [1, 0] : vector<1024x1xf32> -> vector<1x1024xf32>
    %iota3A_92 = tpu.iota {dimensions = array<i32: 1>} : vector<1024x1024xi32>
    %iota3A_93 = tpu.iota {dimensions = array<i32: 0>} : vector<1024x1024xi32>
    %lt3A_94 = arith.cmpi slt, %iota3A_92, %iota3A_93 : vector<1024x1024xi32>
    %gt3A_95 = vector.broadcast %transpose3A_91 : vector<1x1024xf32> to vector<1024x1024xf32>
    %gt3A_96 = vector.broadcast %select_n3A_90 : vector<1024x1xf32> to vector<1024x1024xf32>
    %gt3A_97 = arith.cmpf ogt, %gt3A_95, %gt3A_96 : vector<1024x1024xf32>
    %eq3A_98 = vector.broadcast %transpose3A_91 : vector<1x1024xf32> to vector<1024x1024xf32>
    %eq3A_99 = vector.broadcast %select_n3A_90 : vector<1024x1xf32> to vector<1024x1024xf32>
    %eq3A_100 = arith.cmpf oeq, %eq3A_98, %eq3A_99 : vector<1024x1024xf32>
    %and3A_101 = arith.andi %eq3A_100, %lt3A_94 : vector<1024x1024xi1>
    %or3A = arith.ori %gt3A_97, %and3A_101 : vector<1024x1024xi1>
    %convert_element_type3A_102 = arith.extui %or3A : vector<1024x1024xi1> to vector<1024x1024xi32>
    %convert_element_type3A_103 = arith.sitofp %convert_element_type3A_102 : vector<1024x1024xi32> to vector<1024x1024xf32>
    %broadcast_in_dim3A_104 = arith.constant 1.000000e+00 : f32
    %broadcast_in_dim3A_105 = vector.broadcast %broadcast_in_dim3A_104 : f32 to vector<1024x1xf32>
    %dot_general3A_106 = arith.constant dense<0.000000e+00> : vector<1024x1xf32>
    %dot_general3A_107 = tpu.matmul %convert_element_type3A_103, %broadcast_in_dim3A_105, %dot_general3A_106 {dimension_numbers = #tpu.dot_dimension_numbers<[1], [0], [0], [1], [0, 0, 1, 1], [], []>, precision = #tpu.contract_precision<fp32>, transpose_lhs_hint = false} : vector<1024x1024xf32>, vector<1024x1xf32>, vector<1024x1xf32> -> vector<1024x1xf32>
    %transpose3A_108 = tpu.transpose %dot_general3A_107, [1, 0] : vector<1024x1xf32> -> vector<1x1024xf32>
    %eq3A_109 = vector.broadcast %transpose3A_108 : vector<1x1024xf32> to vector<1024x1024xf32>
    %eq3A_110 = vector.broadcast %convert_element_type3A_42 : vector<1024x1xf32> to vector<1024x1024xf32>
    %eq3A_111 = arith.cmpf oeq, %eq3A_109, %eq3A_110 : vector<1024x1024xf32>
    %convert_element_type3A_112 = arith.extui %eq3A_111 : vector<1024x1024xi1> to vector<1024x1024xi32>
    %convert_element_type3A_113 = arith.sitofp %convert_element_type3A_112 : vector<1024x1024xi32> to vector<1024x1024xf32>
    %dot_general3A_114 = arith.constant dense<0.000000e+00> : vector<1024x1xf32>
    %dot_general3A_115 = tpu.matmul %convert_element_type3A_113, %select_n3A_90, %dot_general3A_114 {dimension_numbers = #tpu.dot_dimension_numbers<[1], [0], [0], [1], [0, 0, 1, 1], [], []>, precision = #tpu.contract_precision<fp32>, transpose_lhs_hint = false} : vector<1024x1024xf32>, vector<1024x1xf32>, vector<1024x1xf32> -> vector<1024x1xf32>
    %dot_general3A_116 = arith.constant dense<0.000000e+00> : vector<1024x1xf32>
    %dot_general3A_117 = tpu.matmul %convert_element_type3A_113, %add3A_85, %dot_general3A_116 {dimension_numbers = #tpu.dot_dimension_numbers<[1], [0], [0], [1], [0, 0, 1, 1], [], []>, precision = #tpu.contract_precision<fp32>, transpose_lhs_hint = false} : vector<1024x1024xf32>, vector<1024x1xf32>, vector<1024x1xf32> -> vector<1024x1xf32>
    %swap3A = arith.constant 0 : index
    %swap3A_118 = arith.constant 0 : index
    %swap3A_119 = vector.load %arg1[%swap3A, %swap3A_118] : memref<1024x1xf32, #tpu.memory_space<vmem>>, vector<1024x1xf32>
    tpu.vector_store %arg1[%swap3A, %swap3A_118], %dot_general3A_115 {strides = array<i32>} : memref<1024x1xf32, #tpu.memory_space<vmem>>, vector<1024x1xf32>,
    %convert_element_type3A_120 = arith.fptosi %dot_general3A_117 : vector<1024x1xf32> to vector<1024x1xi32>
    %swap3A_121 = arith.constant 0 : index
    %swap3A_122 = arith.constant 0 : index
    %swap3A_123 = vector.load %arg2[%swap3A_121, %swap3A_122] : memref<1024x1xi32, #tpu.memory_space<vmem>>, vector<1024x1xi32>
    tpu.vector_store %arg2[%swap3A_121, %swap3A_122], %convert_element_type3A_120 {strides = array<i32>} : memref<1024x1xi32, #tpu.memory_space<vmem>>, vector<1024x1xi32>,
    return
  }
}

module attributes {stable_mosaic.version = 14 : i64} {
  func.func @_finish_body(%arg0: memref<512x512xf32, #tpu.memory_space<vmem>>, %arg1: memref<512x1xf32, #tpu.memory_space<vmem>>, %arg2: memref<512x512xf32, #tpu.memory_space<vmem>>) attributes {dimension_semantics = [], scalar_prefetch = 0 : i64, scratch_operands = 0 : i64, tpu.core_type = #tpu.core_type<tc>} {
    %get3A = arith.constant 0 : index
    %get3A_0 = arith.constant 0 : index
    %get3A_1 = vector.load %arg1[%get3A, %get3A_0] : memref<512x1xf32, #tpu.memory_space<vmem>>, vector<512x1xf32>
    %tanh3A = math.tanh %get3A_1 : vector<512x1xf32>
    %get3A_2 = arith.constant 0 : index
    %get3A_3 = arith.constant 0 : index
    %get3A_4 = vector.load %arg0[%get3A_2, %get3A_3] : memref<512x512xf32, #tpu.memory_space<vmem>>, vector<512x512xf32>
    %mul3A = vector.broadcast %tanh3A : vector<512x1xf32> to vector<512x512xf32>
    %mul3A_5 = arith.mulf %get3A_4, %mul3A : vector<512x512xf32>
    %transpose3A = tpu.transpose %mul3A_5, [1, 0] : vector<512x512xf32> -> vector<512x512xf32>
    %swap3A = arith.constant 0 : index
    %swap3A_6 = arith.constant 0 : index
    %swap3A_7 = vector.load %arg2[%swap3A, %swap3A_6] : memref<512x512xf32, #tpu.memory_space<vmem>>, vector<512x512xf32>
    tpu.vector_store %arg2[%swap3A, %swap3A_6], %transpose3A {strides = array<i32>} : memref<512x512xf32, #tpu.memory_space<vmem>>, vector<512x512xf32>,
    return
  }
}

</mosaic_0001>

<sc_bundles>
// kernel: kernel.6.cloned.1.call-start
scs
__scs_entry_jumppad:
0x0: {  	(pc) =	sbr.rel $0x88, $3  }
0x1: {  	(tag) =	ssettag $0x0;
	lr =	simm.s32 $0x1  }
0x2: {  	[smem:$0x3F9E] =	sst lr;
	_ =	strace $0xD0000000  }
0x3: {  	_ = 	snop  }
0x4: {  	_ = 	snop  }
0x5: {  	_ = 	snop  }
0x6: {  	_ = 	snop  }
0x7: {  	_ = 	snop  }
__scs_overlays_trampoline_lowered:
0x8: {  	[smem:$0x3FAD] =	sst s0  }
0x9: {  	[smem:$0x3FAE] =	sst s1  }
0xa: {  	[smem:$0x3FAF] =	sst s2  }
0xb: {  	[smem:$0x3FB0] =	sst s3  }
0xc: {  	[smem:$0x3FB1] =	sst s4  }
0xd: {  	[smem:$0x3FB2] =	sst s5  }
0xe: {  	[smem:$0x3FB3] =	sst s6  }
0xf: {  	[smem:$0x3FB4] =	sst s7  }
0x10: {  	[smem:$0x3FB5] =	sst s8  }
0x11: {  	[smem:$0x3FB6] =	sst s9;
	s0 =	simm.s32 @!p0 $0x0  }
0x12: {  	s1 =	sld [smem:$0x3F9C];
	s0 =	simm.s32 @p0 $0x1  }
0x13: {  	[smem:$0x3FB7] =	sst s0;
	s0 =	simm.s32 @!p1 $0x0  }
0x14: {  	s2 =	sld [smem:$0x3F9B];
	s0 =	simm.s32 @p1 $0x1  }
0x15: {  	[smem:$0x3FB8] =	sst s0;
	s0 =	simm.s32 @!p2 $0x0  }
0x16: {  	s3 =	sld [smem:$0x3FDB];
	s0 =	simm.s32 @p2 $0x1  }
0x17: {  	s4 =	simm.s32 $0x1BF5;
	[smem:$0x3FBA] =	sst s0  }
0x18: {  	s0 =	sld [smem:$0x3F9D];
	_ =	swait.ge [sflag:s4], $0x0  }
0x19: {  	s7 =	sld [smem:$0x3F9E]  }
0x1a: {  	s8 =	sadd.s32 $0xFFFFE003, lr  }
0x1b: {  	s9 =	sadd.s32 $0xFFFFFEF7, lr;
	s5 =	simm.s32 $0xFFFFFFFF;
	p2 =	slt.u32 s8, $0xFFFFF086  }
0x1c: {  	p1 =	slt.u32 s9, $0xF7A;
	s5 =	simm.s32 @!p2 $0x0  }
0x1d: {  	s5 =	simm.s32 @p1 $0x1;
	p0 =	seq.s32 s7, s2  }
0x1e: {  	s7 =	smul.u32 @!p0 $0xF7A, s2;
	p2 =	seq.s32 @!p0 s5, $0x0  }
0x1f: {  	s9 =	smul.u32 $0xF7A, s1;
	s8 =	simm.s32 @!p0 $0x1BF5;
	p2 =	por !p2, p0  }
0x20: {  	[sflag:s8] =	ssyncset.s32 @!p0 $0xFFFFF086;
	s6 =	sadd.s32 @!p0 s3, s7;
	s7 =	simm.s32 @!p0 $0x108  }
0x21: {  	s3 =	sadd.s32 s3, s9;
	s6 =	sadd.s32 @!p0 $0x88, s6;
	s7 =	simm.s32 @p2 $0x1082  }
0x22: {  	[simem:s7], [sflag:s8] =	dma.local @!p0 [hbm:s6], $0xF7A  }
0x23: {  	s9 =	sor.u32 $0xD0000000, s2;
	s6 =	simm.s32 $0x108;
	_ =	swait.ge @!p0 [sflag:s8], $0x0  }
0x24: {  	s3 =	sadd.s32 $0x88, s3;
	s6 =	simm.s32 @!p1 $0x1082;
	[sflag:s4] =	ssyncset.s32 $0xFFFFF086  }
0x25: {  	[simem:s6], [sflag:s4] =	dma.local [hbm:s3], $0xF7A  }
0x26: {  	[smem:$0x3F9E] =	sst s1;
	(tag) =	ssettag s2;
	_ =	strace s9  }
0x27: {  	s1 =	sld [smem:$0x3FAE]  }
0x28: {  	s2 =	sld [smem:$0x3FAF]  }
0x29: {  	s4 =	sld [smem:$0x3FB1]  }
0x2a: {  	p0 =	seq.s32 s5, $0x0;
	s5 =	sld [smem:$0x3FB2]  }
0x2b: {  	s6 =	sld [smem:$0x3FB3]  }
0x2c: {  	s7 =	sld [smem:$0x3FB4]  }
0x2d: {  	s3 =	simm.s32 $0x108;
	s8 =	sld [smem:$0x3FB5]  }
0x2e: {  	s3 =	simm.s32 @!p0 $0x1082;
	s9 =	sld [smem:$0x3FB6]  }
0x2f: {  	lr =	sadd.s32 s0, s3;
	s0 =	sld [smem:$0x3FAD]  }
0x30: {  	s3 =	sld [smem:$0x3FB0]  }
0x31: {  	[smem:$0x3FB9] =	sst s10  }
0x32: {  	s10 =	sld [smem:$0x3FB7];
	_ =	sdelay $0x3  }
0x33: {  	p0 =	seq.s32 s10, $0x1;
	s10 =	sld [smem:$0x3FB9];
	_ =	sdelay $0x3  }
0x34: {  	[smem:$0x3FB9] =	sst s10  }
0x35: {  	s10 =	sld [smem:$0x3FB8];
	_ =	sdelay $0x3  }
0x36: {  	p1 =	seq.s32 s10, $0x1;
	s10 =	sld [smem:$0x3FB9];
	_ =	sdelay $0x3  }
0x37: {  	[smem:$0x3FB9] =	sst s10  }
0x38: {  	s10 =	sld [smem:$0x3FBA]  }
0x39: {  	_ = 	snop;
	(pc) =	sbr.ind lr, $3  }
0x3a: {  	_ = 	snop  }
0x3b: {  	_ = 	snop  }
0x3c: {  	p2 =	seq.s32 s10, $0x1;
	s10 =	sld [smem:$0x3FB9]  }
0x3d: {  	_ =	shalt  }
0x3e: {  	_ =	shalt  }
0x3f: {  	_ =	shalt  }
0x40: {  	_ =	shalt  }
0x41: {  	_ =	shalt  }
0x42: {  	_ =	shalt  }
0x43: {  	_ =	shalt  }
0x44: {  	_ =	shalt  }
0x45: {  	_ =	shalt  }
0x46: {  	_ =	shalt  }
0x47: {  	_ =	shalt  }
0x48: {  	_ =	shalt  }
0x49: {  	_ =	shalt  }
0x4a: {  	_ =	shalt  }
0x4b: {  	_ =	shalt  }
0x4c: {  	_ =	shalt  }
0x4d: {  	_ =	shalt  }
0x4e: {  	_ =	shalt  }
0x4f: {  	_ =	shalt  }
0x50: {  	_ =	shalt  }
0x51: {  	_ =	shalt  }
0x52: {  	_ =	shalt  }
0x53: {  	_ =	shalt  }
0x54: {  	_ =	shalt  }
0x55: {  	_ =	shalt  }
0x56: {  	_ =	shalt  }
0x57: {  	_ =	shalt  }
0x58: {  	_ =	shalt  }
0x59: {  	_ =	shalt  }
0x5a: {  	_ =	shalt  }
0x5b: {  	_ =	shalt  }
0x5c: {  	_ =	shalt  }
0x5d: {  	_ =	shalt  }
0x5e: {  	_ =	shalt  }
0x5f: {  	_ =	shalt  }
0x60: {  	_ =	shalt  }
0x61: {  	_ =	shalt  }
0x62: {  	_ =	shalt  }
0x63: {  	_ =	shalt  }
0x64: {  	_ =	shalt  }
0x65: {  	_ =	shalt  }
0x66: {  	_ =	shalt  }
0x67: {  	_ =	shalt  }
0x68: {  	_ =	shalt  }
0x69: {  	_ =	shalt  }
0x6a: {  	_ =	shalt  }
0x6b: {  	_ =	shalt  }
0x6c: {  	_ =	shalt  }
0x6d: {  	_ =	shalt  }
0x6e: {  	_ =	shalt  }
0x6f: {  	_ =	shalt  }
0x70: {  	_ =	shalt  }
0x71: {  	_ =	shalt  }
0x72: {  	_ =	shalt  }
0x73: {  	_ =	shalt  }
0x74: {  	_ =	shalt  }
0x75: {  	_ =	shalt  }
0x76: {  	_ =	shalt  }
0x77: {  	_ =	shalt  }
0x78: {  	_ =	shalt  }
0x79: {  	_ =	shalt  }
0x7a: {  	_ =	shalt  }
0x7b: {  	_ =	shalt  }
0x7c: {  	_ =	shalt  }
0x7d: {  	_ =	shalt  }
0x7e: {  	_ =	shalt  }
0x7f: {  	_ =	shalt  }
0x80: {  	_ =	shalt  }
0x81: {  	_ =	shalt  }
0x82: {  	_ =	shalt  }
0x83: {  	_ =	shalt  }
0x84: {  	_ =	shalt  }
0x85: {  	_ =	shalt  }
0x86: {  	_ =	shalt  }
0x87: {  	_ =	shalt  }
.Lfunc_end0:
.L_simem_size_0:
called_computation_lowered:
.L_overlay_start_0:
0x88: {  	s2 =	sld [smem:$0x3FD9]  }
0x89: {  	s3 =	sld [smem:$0x3FFE];
	_ =	sdelay $0x1  }
0x8a: {  	s1 =	srdreg.scid  }
0x8b: {  	s0 =	sand.u32 $0x1, s1  }
0x8c: {  	s17 =	sshll.u32 s0, $0xA;
	s2 =	sadd.s32 s3, s2  }
0x8d: {  	s2 =	sadd.s32 s2, s17  }
0x8e: {  	[smem:$0x3FC5] =	sst s2  }
0x8f: {  	_ = 	snop  }
0x90: {  	s2 =	sld [smem:$0x3FC9]  }
0x91: {  	s18 =	sld [smem:$0x3FD0];
	(tm) =	ssettm $0x1  }
0x92: {  	s4 =	sld [smem:$0x3FFB];
	_ =	sdelay $0x3  }
0x93: {  	_ =	strace s4  }
0x94: {  	s4 =	sld [smem:$0x3FFC];
	_ =	sdelay $0x3  }
0x95: {  	_ =	strace s4  }
0x96: {  	s4 =	sld [smem:$0x3FFD];
	_ =	sdelay $0x3  }
0x97: {  	_ =	strace s4  }
0x98: {  	_ =	strace $0x8FFFFFFF  }
0x99: {  	s19 =	sld [smem:$0x3FDB];
	_ =	sdelay $0x1  }
0x9a: {  	s5 =	simm.s32 $_scs_section_size  }
0x9b: {  	s6 =	simm.s32 $_size__tile_overlayer_lowered;
	s7 =	simm.s32 $_tile_overlayer_lowered  }
0x9c: {  	s22 =	simm.s32 $0x1BFF;
	s21 =	sshll.u32 s7, $0x1;
	s4 =	sadd.s32 s5, s19  }
0x9d: {  	s8 =	simm.s32 $0x0;
	s20 =	sshll.u32 s6, $0x1;
	s6 =	sadd.s32 s21, s4  }
0x9e: {  	[timem:s8], [sflag:s22] =	dma.local [hbm:s6], s20  }
0x9f: {  	_ =	swait.ge [sflag:s22], s20  }
0xa0: {  	s5 =	ssub.s32 $0x0, s20;
	[sflag:s22] =	ssyncset.done $0x0  }
0xa1: {  	[sflag:s22] =	ssyncadd.s32 s5;
	_ =	sdelay $0x1  }
0xa2: {  	s23 =	simm.s32 $0x1B8B  }
0xa3: {  	_ =	swait.ge [sflag:s23], $0x1  }
0xa4: {  	[sflag:s23] =	ssyncset.done $0x0  }
0xa5: {  	s25 =	simm.s32 $0x1B8E;
	s24 =	sld [smem:$0x3FFE];
	[sflag:s23] =	ssyncadd.s32 $0xFFFFFFFF  }
0xa6: {  	s26 =	simm.s32 $execute0_lowered;
	[smem:$0x3FD2] =	sst s25  }
0xa7: {  	s6 =	sshll.u32 s26, $0x1;
	_ =	strace $0x80000046;
	[dreg:$0x1] =	wrdreg $0xFFFFFFFF  }
0xa8: {  	s28 =	simm.s32 $_size_execute0_lowered;
	s4 =	sadd.s32 s4, s6;
	[dreg:$0x0] =	wrdreg $0x0  }
0xa9: {  	s6 =	sshll.u32 s28, $0x1;
	[dreg:$0x2] =	wrdreg s4  }
0xaa: {  	[dreg:$0x3] =	wrdreg s6  }
0xab: {  	[dreg:$0x4] =	wrdreg $0xC0  }
0xac: {  	_ =	task [dreg:s8], $0x5FFFF  }
0xad: {  	[dreg:$0x1] =	wrdreg $0xFFFFFFFF  }
0xae: {  	[dreg:$0x0] =	wrdreg $0x60  }
0xaf: {  	[dreg:$0x2] =	wrdreg s2  }
0xb0: {  	[dreg:$0x3] =	wrdreg s24  }
0xb1: {  	[dreg:$0x4] =	wrdreg s18  }
0xb2: {  	[dreg:$0x5] =	wrdreg $0x9  }
0xb3: {  	_ =	task.clear_ibuf [dreg:s8], $0x6FFFF;
	_ =	strace $0x90000046  }
0xb4: {  	s29 =	simm.s32 $0x9;
	_ =	strace $0x80000048  }
0xb5: {  	_ =	swait.ge [sflag:s29], $0x1  }
0xb6: {  	[sflag:s29] =	ssyncadd.s32 $0xFFFFFFFF  }
0xb7: {  	_ =	strace $0x90000048  }
0xb8: {  	_ =	sfence  }
0xb9: {  	s30 =	sld [smem:$0x0];
	_ =	sdelay $0x2  }
0xba: {  	s31 =	sshll.u32 s1, $0xD;
	s1 =	sshrl.u32 s1, $0x2  }
0xbb: {  	s3 =	sand.u32 $0x4000, s31;
	s1 =	sadd.s32 s1, s30  }
0xbc: {  	s0 =	sor.u32 s3, s0;
	s1 =	sshll.u32 s1, $0x11  }
0xbd: {  	s0 =	sor.u32 s1, s0  }
0xbe: {  	s0 =	sadd.s32 $0x8F2B, s0  }
0xbf: {  	[sflag:s0] =	ssyncadd.remote.s32 $0x1  }
0xc0: {  	_ =	sfence.sel $0xFFFF  }
0xc1: {  	[dreg:$0x0] =	wrdreg $0xFFFFFFFF;
	(pc) =	sbr.abs _section_cstart, $3  }
0xc2: {  	[dreg:$0x1] =	wrdreg $0xFFFFFFFF  }
0xc3: {  	_ =	task.clear_ibuf [dreg:s8], $0x2FFFF;
	_ =	strace $0x9FFFFFFF  }
0xc4: {  	(tm) =	ssettm $0x7FFFFFFF  }
0xc5: {  	_ =	shalt  }
tec
execute0_lowered:
.L_overlay_start_1:
0x0: {  	(tag) =	ssettag $0x1  }
0x1: {  	s2 =	rddreg [dreg:$0x0]  }
0x2: {  	s4 =	rddreg [dreg:$0x1]  }
0x3: {  	s1 =	srdreg.scid;
	s0 =	stileid.u32  }
0x4: {  	s12 =	rddreg [dreg:$0x2];
	s10 =	sand.u32 $0x1, s1;
	s5 =	sshll.u32 s0, $0x1  }
0x5: {  	s3 =	simm.s32 $0x0;
	s1 =	rddreg [dreg:$0x3];
	s13 =	sor.u32 s10, s5  }
0x6: {  	[smem:$0x7FF] =	sst s3;
	s5 =	sshll.u32 s13, $0x4  }
0x7: {  	_ =	strace $0x80000047;
	s5 =	sadd.s32 s4, s5;
	s4 =	simm.s32 $0x2  }
0x8: {  	[tilespmem:s3], [sflag:$0x2] =	stream.linear.gather [hbm4b:s5+s3], $0x80, $0x38;
	[tilespmem:$0x2080] =	vst v63  }
0x9: {  	_ =	swait.ge [sflag:s4], $0x80  }
0xa: {  	[sflag:s4] =	ssyncset.done $0x0  }
0xb: {  	[sflag:s4] =	ssyncadd.s32 $0xFFFFFF80  }
0xc: {  	v0 =	vld [tilespmem:$0x0];
	_ =	sdelay $0x4  }
0xd: {  	v1 =	vshll.u32 v0, $0x2  }
0xe: {  	v2 =	vlaneseq.u32;
	v3 =	vand.u32 $0x7, v0;
	v1 =	vand.u32 $0xFFFFFFE0, v1  }
0xf: {  	v4 =	vshrl.u32 v2, $0x3;
	v0 =	vand.u32 $0x7, v2;
	v3 =	vor.u32 v3, v1  }
0x10: {  	v1 =	vmul.u32 $0x8, v4;
	v63 =	vperm.xlane v3, v0;
	_ =	sdelay $0x1  }
0x11: {  	v4 =	vadd.s32 v1, v63  }
0x12: {  	v2 =	vor.u32 $0x8, v2  }
0x13: {  	v3 =	vperm.xlane v3, v2;
	_ =	sdelay $0x1  }
0x14: {  	vm0 =	vmmov $0xffff;
	s6 =	simm.s32 $0x80;
	s14 =	ssub.s32 $0x2, s10;
	v3 =	vadd.s32 v1, v3  }
0x15: {  	[tilespmem:s6], [sflag:$0x1] =	stream.indirect_vreg.gather [hbm4b:s2+s3], $0x80, v4, vm0, $0xb8;
	[tilespmem:$0x2080] =	vst v63  }
0x16: {  	s8 =	simm.s32 $0x880;
	s7 =	sadd.s32 $0x100, s2;
	s15 =	sshrl.u32 s14, $0x1  }
0x17: {  	[tilespmem:s8], [sflag:$0x1] =	stream.indirect_vreg.gather [hbm4b:s7+s3], $0x80, v4, vm0, $0xb8;
	[tilespmem:$0x2080] =	vst v63  }
0x18: {  	s9 =	simm.s32 $0x1080;
	s14 =	ssub.s32 s14, s15  }
0x19: {  	[tilespmem:s9], [sflag:$0x1] =	stream.indirect_vreg.gather [hbm4b:s2+s3], $0x80, v3, vm0, $0xb8;
	[tilespmem:$0x2080] =	vst v63  }
0x1a: {  	s11 =	simm.s32 $0x1;
	s10 =	simm.s32 $0x1880;
	s31 =	smax.u32 s14, $0x1  }
0x1b: {  	[tilespmem:s10], [sflag:$0x1] =	stream.indirect_vreg.gather [hbm4b:s7+s3], $0x80, v3, vm0, $0xb8;
	[tilespmem:$0x2080] =	vst v63  }
0x1c: {  	p0 =	sne.s32 s31, $0x1;
	_ =	swait.ge [sflag:s11], $0x2000  }
.Ltmp0:
0x1d: {  	s13 =	sshll.u32 s13, $0xA;
	[sflag:s11] =	ssyncset.done $0x0;
	(pc) =	sbr.rel @!p0 .LBB2_2-.Ltmp0, $4  }
0x1e: {  	s12 =	sadd.s32 s12, s13;
	[sflag:s11] =	ssyncadd.s32 $0xFFFFE000  }
0x1f: {  	[hbm4b:s12+s3] =	stream.linear.scatter [tilespmem:s6], [sflag:$0x2], $0x2000, $0x38;
	[tilespmem:$0x2080] =	vst v63  }
0x20: {  	_ =	swait.ge [sflag:s4], $0x2000  }
0x21: {  	s13 =	sadd.s32 $0xFFFFFFFF, s31;
	[sflag:s4] =	ssyncset.done $0x0  }
.LBB2_1:
0x22: {  	p0 =	sne.s32 s13, $0x1;
	s13 =	sadd.s32 $0xFFFFFFFF, s13;
	[sflag:s4] =	ssyncadd.s32 $0xFFFFE000  }
0x23: {  	[tilespmem:s3], [sflag:$0x2] =	stream.linear.gather [hbm4b:s5+s3], $0x80, $0x38;
	[tilespmem:$0x2080] =	vst v63  }
0x24: {  	_ =	swait.ge [sflag:s4], $0x80  }
0x25: {  	[sflag:s4] =	ssyncset.done $0x0  }
0x26: {  	[sflag:s4] =	ssyncadd.s32 $0xFFFFFF80  }
0x27: {  	v3 =	vld [tilespmem:$0x0];
	_ =	sdelay $0x4  }
0x28: {  	v4 =	vshll.u32 v3, $0x2  }
0x29: {  	v3 =	vand.u32 $0x7, v3;
	v4 =	vand.u32 $0xFFFFFFE0, v4  }
0x2a: {  	v3 =	vor.u32 v3, v4  }
0x2b: {  	v4 =	vperm.xlane v3, v0;
	v3 =	vperm.xlane v3, v2;
	_ =	sdelay $0x1  }
0x2c: {  	v4 =	vadd.s32 v1, v4;
	_ =	sdelay $0x3  }
0x2d: {  	v3 =	vadd.s32 v1, v3  }
0x2e: {  	[tilespmem:s6], [sflag:$0x1] =	stream.indirect_vreg.gather [hbm4b:s2+s3], $0x80, v4, vm0, $0xb8;
	[tilespmem:$0x2080] =	vst v63  }
0x2f: {  	_ = 	snop  }
0x30: {  	[tilespmem:s8], [sflag:$0x1] =	stream.indirect_vreg.gather [hbm4b:s7+s3], $0x80, v4, vm0, $0xb8;
	[tilespmem:$0x2080] =	vst v63  }
0x31: {  	_ = 	snop  }
0x32: {  	[tilespmem:s9], [sflag:$0x1] =	stream.indirect_vreg.gather [hbm4b:s2+s3], $0x80, v3, vm0, $0xb8;
	[tilespmem:$0x2080] =	vst v63  }
0x33: {  	_ = 	snop  }
0x34: {  	[tilespmem:s10], [sflag:$0x1] =	stream.indirect_vreg.gather [hbm4b:s7+s3], $0x80, v3, vm0, $0xb8;
	[tilespmem:$0x2080] =	vst v63  }
0x35: {  	_ =	swait.ge [sflag:s11], $0x2000  }
.Ltmp1:
0x36: {  	[sflag:s11] =	ssyncset.done $0x0;
	(pc) =	sbr.rel @p0 .LBB2_1-.Ltmp1, $4  }
0x37: {  	[sflag:s11] =	ssyncadd.s32 $0xFFFFE000  }
0x38: {  	[hbm4b:s12+s3] =	stream.linear.scatter [tilespmem:s6], [sflag:$0x2], $0x2000, $0x38;
	[tilespmem:$0x2080] =	vst v63  }
0x39: {  	_ =	swait.ge [sflag:s4], $0x2000  }
0x3a: {  	[sflag:s4] =	ssyncset.done $0x0  }
.LBB2_2:
0x3b: {  	[sflag:s4] =	ssyncadd.s32 $0xFFFFE000  }
0x3c: {  	_ =	sfence.sel $0x180000  }
0x3d: {  	[bflag:$0x0] =	sbarrier.arrive $0xFFFF  }
0x3e: {  	p0 =	sne.s32 s0, $0x0;
	_ =	strace $0x90000047  }
0x3f: {  	s0 =	sadd.s32 @!p0 $0x100000, s1;
	[bflag:$0x2] =	sbarrier.arrive $0xFFFF  }
0x40: {  	[sflag:s0] =	ssyncadd.tile.s32 @!p0 $0x1;
	_ =	shalt  }
.Lfunc_end2:
_tile_overlayer_lowered:
.L_overlay_start_2:
0x41: {  	(tag) =	ssettag $0x2  }
0x42: {  	s0 =	rddreg [dreg:$0x0];
	s2 =	stileid.u32  }
0x43: {  	s1 =	rddreg [dreg:$0x1];
	p0 =	sne.s32 s2, $0x0  }
0x44: {  	s3 =	rddreg [dreg:$0x2];
	[bflag:$0x3] =	sbarrier.arrive $0xFFFF;
	s2 =	simm.s32 @!p0 $0x1C02  }
0x45: {  	[timem:s3], [sflag:s2] =	dma.local @!p0 [hbm:s0], s1  }
0x46: {  	s0 =	simm.s32 @!p0 $0x2  }
0x47: {  	_ =	swait.ge @!p0 [sflag:s0], s1  }
0x48: {  	s1 =	ssub.s32 @!p0 $0x0, s1;
	[sflag:s0] =	ssyncset.done @!p0 $0x0  }
0x49: {  	[sflag:s0] =	ssyncadd.s32 @!p0 s1  }
0x4a: {  	[bflag:$0x3] =	sbarrier.arrive $0xFFFF  }
0x4b: {  	_ =	shalt  }

</sc_bundles>
